<compile_context>
chip_gen: v7x
topology: tpu7x:2x2x1
jax: 0.10.2.dev20260603
libtpu: 0.0.44.dev20260713+nightly
codegen_flags: <defaults>
</compile_context>

<pallas_src>
import functools

import jax
import jax.numpy as jnp
from jax import lax
from jax.experimental import pallas as pl
from jax.experimental.pallas import tpu as pltpu
from jax.experimental.pallas import tpu_sc as plsc

_B, _C, _H, _W = 8, 192, 112, 112
_HO, _WO = 224, 224
_N = _H * _W
_M = _HO * _WO
_BC = _B * _C
_NW = 32
_PW = _BC // _NW
_CHUNK = _M // 4
_NVEC = _CHUNK // 16

_mesh = plsc.VectorSubcoreMesh(core_axis_name="c", subcore_axis_name="s")


@functools.partial(
    pl.kernel,
    mesh=_mesh,
    compiler_params=pltpu.CompilerParams(needs_layout_passes=False),
    out_type=jax.ShapeDtypeStruct((_BC, _M), jnp.float32),
    scratch_types=[
        pltpu.VMEM((_N,), jnp.float32),
        pltpu.VMEM((_CHUNK,), jnp.float32),
        pltpu.VMEM((_CHUNK,), jnp.float32),
    ],
)
def _unpool_sc(x_hbm, wpos_hbm, out_hbm, x_v, w_v, o_v):
    wid = lax.axis_index("s") * 2 + lax.axis_index("c")

    def plane_body(p, carry):
        row = wid * _PW + p
        pltpu.sync_copy(x_hbm.at[row], x_v)

        def chunk_body(ci, carry2):
            pltpu.sync_copy(wpos_hbm.at[row, pl.ds(ci * _CHUNK, _CHUNK)], w_v)

            def vec_body(i, carry3):
                wv = w_v[pl.ds(i * 16, 16)]
                src = jnp.maximum(wv.astype(jnp.int32) - 1, 0)
                vals = plsc.load_gather(x_v, [src])
                o_v[pl.ds(i * 16, 16)] = jnp.where(wv > 0.5, vals, 0.0)
                return carry3

            lax.fori_loop(0, _NVEC, vec_body, 0)
            pltpu.sync_copy(o_v, out_hbm.at[row, pl.ds(ci * _CHUNK, _CHUNK)])
            return carry2

        lax.fori_loop(0, _M // _CHUNK, chunk_body, 0)
        return carry

    lax.fori_loop(0, _PW, plane_body, 0)


def kernel(x, indices):
    xf = x.reshape(_BC, _N)
    idxf = indices.reshape(_BC, _N)
    rows = jnp.arange(_BC)[:, None]
    pos = jnp.broadcast_to(
        jnp.arange(1, _N + 1, dtype=jnp.float32)[None, :], (_BC, _N))
    wpos = jnp.zeros((_BC, _M), dtype=jnp.float32).at[rows, idxf].set(pos)
    out = _unpool_sc(xf, wpos)
    return out.reshape(_B, _C, _HO, _WO)

# --- scband reference (transcript-rebuilt; emitter-appended) ---
"""Pipeline reference for scband-unpooling-operation-86234353369797 (READ-ONLY COPY).

The authoritative reference and input builder live on the scoring server;
editing this copy changes nothing except your own understanding.
"""

import jax, jax.numpy as jnp
import numpy as np

B, C, H, W = 8, 192, 112, 112
HO, WO = 224, 224

def setup_inputs(seed: int = 0) -> dict:
    key = jax.random.key(seed)
    k1, k2 = jax.random.split(key)
    x = jax.random.normal(k1, (B, C, H, W), dtype=jnp.float32)
    indices = jax.random.randint(k2, (B, C, H, W), 0, HO * WO, dtype=jnp.int32)
    return {"x": x, "indices": indices}

def reference(x, indices):
    # MaxUnpool2d(kernel_size=2, stride=2, padding=0):
    # (112-1)*2 - 0 + 2 = 224 == output size, so no extra ZeroPad2d layer.
    # Scatter x values into a zero output plane at the flat spatial positions
    # given by `indices` (per batch/channel), matching torch's MaxUnpool2d.
    xf = x.reshape(B * C, H * W)
    idxf = indices.reshape(B * C, H * W)
    rows = jnp.arange(B * C)[:, None]
    out_flat = jnp.zeros((B * C, HO * WO), dtype=x.dtype)
    out_flat = out_flat.at[rows, idxf].set(xf)
    return out_flat.reshape(B, C, HO, WO)

if __name__ == "__main__":
    import jax
    _d = setup_inputs()
    print(jax.jit(kernel)(*tuple(_d.values())))

</pallas_src>

<mosaic_0001>
#map = affine_map<(d0, d1) -> (0, 0)>
module attributes {stable_mosaic.version = 14 : i64} {
  func.func @_unpool_sc(%arg0: i32, %arg1: i32, %arg2: memref<1536x12544xf32, #tpu.memory_space<hbm>>, %arg3: memref<1536x50176xf32, #tpu.memory_space<hbm>>, %arg4: memref<1536x50176xf32, #tpu.memory_space<hbm>>, %arg5: memref<12544xf32, #tpu.memory_space<vmem>>, %arg6: memref<12544xf32, #tpu.memory_space<vmem>>, %arg7: memref<12544xf32, #tpu.memory_space<vmem>>) attributes {dimension_semantics = [#tpu.dimension_semantics<core_parallel>, #tpu.dimension_semantics<subcore_parallel>], iteration_bounds = array<i64: 2, 16>, scalar_prefetch = 0 : i64, scratch_operands = 3 : i64, tpu.core_type = #tpu.core_type<sc_vector_subcore>, window_params = [{transform_indices = #map}, {transform_indices = #map}, {transform_indices = #map}]} {
    %mul3A = arith.constant 2 : i32
    %mul3A_0 = arith.muli %arg1, %mul3A : i32
    %add3A = arith.addi %mul3A_0, %arg0 : i32
    %scan3A = arith.constant 0 : i32
    %scan3A_1 = arith.constant 0 : i32
    %scan3A_2 = arith.constant 48 : i32
    %scan3A_3 = arith.addi %scan3A_1, %scan3A_2 : i32
    %scan3A_4 = arith.constant 1 : i32
    scf.for %scan3A_6 = %scan3A_1 to %scan3A_3 step %scan3A_4  : i32 {
      %mul3A_7 = arith.constant 48 : i32
      %mul3A_8 = arith.muli %add3A, %mul3A_7 : i32
      %add3A_9 = arith.addi %mul3A_8, %scan3A_6 : i32
      "tpu.region"() ({
        %run_scoped3A = tpu.sem_alloc : memref<!tpu.dma_semaphore, #tpu.memory_space<semaphore_mem>>
        %dma_start3A = arith.constant 0 : i32
        %dma_start3A_16 = tpu.memref_slice %arg2[%add3A_9, %dma_start3A] : memref<1536x12544xf32, #tpu.memory_space<hbm>> -> memref<1x12544xf32, #tpu.memory_space<hbm>>
        %dma_start3A_17 = tpu.memref_squeeze %dma_start3A_16 : memref<1x12544xf32, #tpu.memory_space<hbm>> -> memref<12544xf32, #tpu.memory_space<hbm>>
        %dma_start3A_18 = arith.constant 0 : i32
        %dma_start3A_19 = tpu.memref_slice %arg2[%add3A_9, %dma_start3A_18] : memref<1536x12544xf32, #tpu.memory_space<hbm>> -> memref<1x12544xf32, #tpu.memory_space<hbm>>
        %dma_start3A_20 = tpu.memref_squeeze %dma_start3A_19 : memref<1x12544xf32, #tpu.memory_space<hbm>> -> memref<12544xf32, #tpu.memory_space<hbm>>
        tpu.enqueue_dma source(%dma_start3A_20 : memref<12544xf32, #tpu.memory_space<hbm>>) target(%arg5 : memref<12544xf32, #tpu.memory_space<vmem>>) target_semaphore(%run_scoped3A : memref<!tpu.dma_semaphore, #tpu.memory_space<semaphore_mem>>)
        %dma_wait3A = arith.constant 0 : i32
        %dma_wait3A_21 = tpu.memref_slice %arg2[%add3A_9, %dma_wait3A] : memref<1536x12544xf32, #tpu.memory_space<hbm>> -> memref<1x12544xf32, #tpu.memory_space<hbm>>
        %dma_wait3A_22 = tpu.memref_squeeze %dma_wait3A_21 : memref<1x12544xf32, #tpu.memory_space<hbm>> -> memref<12544xf32, #tpu.memory_space<hbm>>
        %dma_wait3A_23 = arith.constant 0 : i32
        %dma_wait3A_24 = tpu.memref_slice %arg2[%add3A_9, %dma_wait3A_23] : memref<1536x12544xf32, #tpu.memory_space<hbm>> -> memref<1x12544xf32, #tpu.memory_space<hbm>>
        %dma_wait3A_25 = tpu.memref_squeeze %dma_wait3A_24 : memref<1x12544xf32, #tpu.memory_space<hbm>> -> memref<12544xf32, #tpu.memory_space<hbm>>
        tpu.wait_dma2 semaphore(%run_scoped3A : memref<!tpu.dma_semaphore, #tpu.memory_space<semaphore_mem>>) src(%dma_wait3A_25 : memref<12544xf32, #tpu.memory_space<hbm>>) dst(%arg5 : memref<12544xf32, #tpu.memory_space<vmem>>)
        tpu.yield
      }) : () -> ()
      %scan3A_10 = arith.constant 0 : i32
      %scan3A_11 = arith.constant 0 : i32
      %scan3A_12 = arith.constant 4 : i32
      %scan3A_13 = arith.addi %scan3A_11, %scan3A_12 : i32
      %scan3A_14 = arith.constant 1 : i32
      scf.for %scan3A_16 = %scan3A_11 to %scan3A_13 step %scan3A_14  : i32 {
        %mul3A_17 = arith.constant 12544 : i32
        %mul3A_18 = arith.muli %scan3A_16, %mul3A_17 : i32
        "tpu.region"() ({
          %run_scoped3A = tpu.sem_alloc : memref<!tpu.dma_semaphore, #tpu.memory_space<semaphore_mem>>
          %dma_start3A = tpu.memref_slice %arg3[%add3A_9, %mul3A_18] : memref<1536x50176xf32, #tpu.memory_space<hbm>> -> memref<1x12544xf32, #tpu.memory_space<hbm>>
          %dma_start3A_27 = tpu.memref_squeeze %dma_start3A : memref<1x12544xf32, #tpu.memory_space<hbm>> -> memref<12544xf32, #tpu.memory_space<hbm>>
          %dma_start3A_28 = tpu.memref_slice %arg3[%add3A_9, %mul3A_18] : memref<1536x50176xf32, #tpu.memory_space<hbm>> -> memref<1x12544xf32, #tpu.memory_space<hbm>>
          %dma_start3A_29 = tpu.memref_squeeze %dma_start3A_28 : memref<1x12544xf32, #tpu.memory_space<hbm>> -> memref<12544xf32, #tpu.memory_space<hbm>>
          tpu.enqueue_dma source(%dma_start3A_29 : memref<12544xf32, #tpu.memory_space<hbm>>) target(%arg6 : memref<12544xf32, #tpu.memory_space<vmem>>) target_semaphore(%run_scoped3A : memref<!tpu.dma_semaphore, #tpu.memory_space<semaphore_mem>>)
          %dma_wait3A = tpu.memref_slice %arg3[%add3A_9, %mul3A_18] : memref<1536x50176xf32, #tpu.memory_space<hbm>> -> memref<1x12544xf32, #tpu.memory_space<hbm>>
          %dma_wait3A_30 = tpu.memref_squeeze %dma_wait3A : memref<1x12544xf32, #tpu.memory_space<hbm>> -> memref<12544xf32, #tpu.memory_space<hbm>>
          %dma_wait3A_31 = tpu.memref_slice %arg3[%add3A_9, %mul3A_18] : memref<1536x50176xf32, #tpu.memory_space<hbm>> -> memref<1x12544xf32, #tpu.memory_space<hbm>>
          %dma_wait3A_32 = tpu.memref_squeeze %dma_wait3A_31 : memref<1x12544xf32, #tpu.memory_space<hbm>> -> memref<12544xf32, #tpu.memory_space<hbm>>
          tpu.wait_dma2 semaphore(%run_scoped3A : memref<!tpu.dma_semaphore, #tpu.memory_space<semaphore_mem>>) src(%dma_wait3A_32 : memref<12544xf32, #tpu.memory_space<hbm>>) dst(%arg6 : memref<12544xf32, #tpu.memory_space<vmem>>)
          tpu.yield
        }) : () -> ()
        %scan3A_19 = arith.constant 0 : i32
        %scan3A_20 = arith.constant 0 : i32
        %scan3A_21 = arith.constant 784 : i32
        %scan3A_22 = arith.addi %scan3A_20, %scan3A_21 : i32
        %scan3A_23 = arith.constant 1 : i32
        scf.for %scan3A_27 = %scan3A_20 to %scan3A_22 step %scan3A_23  : i32 {
          %mul3A_28 = arith.constant 16 : i32
          %mul3A_29 = arith.muli %scan3A_27, %mul3A_28 : i32
          %get3A = arith.index_cast %mul3A_29 : i32 to index
          %get3A_30 = tpu.vector_load %arg6[%get3A] {strides = array<i32>} : memref<12544xf32, #tpu.memory_space<vmem>>, vector<16xf32>,
          %convert_element_type3A = arith.fptosi %get3A_30 : vector<16xf32> to vector<16xi32>
          %sub3A = arith.constant 1 : i32
          %sub3A_31 = vector.broadcast %sub3A : i32 to vector<16xi32>
          %sub3A_32 = arith.subi %convert_element_type3A, %sub3A_31 : vector<16xi32>
          %max3A = arith.constant 0 : i32
          %max3A_33 = vector.broadcast %max3A : i32 to vector<16xi32>
          %max3A_34 = arith.maxsi %sub3A_32, %max3A_33 : vector<16xi32>
          %gather3A = tpu.vector_load_idx %arg5[%max3A_34] : memref<12544xf32, #tpu.memory_space<vmem>>[vector<16xi32>], vector<16xf32>,
          %gt3A = arith.constant 5.000000e-01 : f32
          %gt3A_35 = vector.broadcast %gt3A : f32 to vector<16xf32>
          %gt3A_36 = arith.cmpf ogt, %get3A_30, %gt3A_35 : vector<16xf32>
          %jit3A = arith.constant 0.000000e+00 : f32
          %broadcast_in_dim3A = vector.broadcast %jit3A : f32 to vector<16xf32>
          %select_n3A = arith.select %gt3A_36, %gather3A, %broadcast_in_dim3A : vector<16xi1>, vector<16xf32>
          %mul3A_37 = arith.constant 16 : i32
          %mul3A_38 = arith.muli %scan3A_27, %mul3A_37 : i32
          %swap3A = arith.index_cast %mul3A_38 : i32 to index
          %swap3A_39 = tpu.vector_load %arg7[%swap3A] {strides = array<i32>} : memref<12544xf32, #tpu.memory_space<vmem>>, vector<16xf32>,
          tpu.vector_store %arg7[%swap3A], %select_n3A {strides = array<i32>} : memref<12544xf32, #tpu.memory_space<vmem>>, vector<16xf32>,
        }
        %scan3A_24 = arith.constant 784 : i32
        %mul3A_25 = arith.constant 12544 : i32
        %mul3A_26 = arith.muli %scan3A_16, %mul3A_25 : i32
        "tpu.region"() ({
          %run_scoped3A = tpu.sem_alloc : memref<!tpu.dma_semaphore, #tpu.memory_space<semaphore_mem>>
          %dma_start3A = tpu.memref_slice %arg4[%add3A_9, %mul3A_26] : memref<1536x50176xf32, #tpu.memory_space<hbm>> -> memref<1x12544xf32, #tpu.memory_space<hbm>>
          %dma_start3A_27 = tpu.memref_squeeze %dma_start3A : memref<1x12544xf32, #tpu.memory_space<hbm>> -> memref<12544xf32, #tpu.memory_space<hbm>>
          %dma_start3A_28 = tpu.memref_slice %arg4[%add3A_9, %mul3A_26] : memref<1536x50176xf32, #tpu.memory_space<hbm>> -> memref<1x12544xf32, #tpu.memory_space<hbm>>
          %dma_start3A_29 = tpu.memref_squeeze %dma_start3A_28 : memref<1x12544xf32, #tpu.memory_space<hbm>> -> memref<12544xf32, #tpu.memory_space<hbm>>
          tpu.enqueue_dma source(%arg7 : memref<12544xf32, #tpu.memory_space<vmem>>) target(%dma_start3A_29 : memref<12544xf32, #tpu.memory_space<hbm>>) target_semaphore(%run_scoped3A : memref<!tpu.dma_semaphore, #tpu.memory_space<semaphore_mem>>)
          %dma_wait3A = tpu.memref_slice %arg4[%add3A_9, %mul3A_26] : memref<1536x50176xf32, #tpu.memory_space<hbm>> -> memref<1x12544xf32, #tpu.memory_space<hbm>>
          %dma_wait3A_30 = tpu.memref_squeeze %dma_wait3A : memref<1x12544xf32, #tpu.memory_space<hbm>> -> memref<12544xf32, #tpu.memory_space<hbm>>
          %dma_wait3A_31 = tpu.memref_slice %arg4[%add3A_9, %mul3A_26] : memref<1536x50176xf32, #tpu.memory_space<hbm>> -> memref<1x12544xf32, #tpu.memory_space<hbm>>
          %dma_wait3A_32 = tpu.memref_squeeze %dma_wait3A_31 : memref<1x12544xf32, #tpu.memory_space<hbm>> -> memref<12544xf32, #tpu.memory_space<hbm>>
          tpu.wait_dma2 semaphore(%run_scoped3A : memref<!tpu.dma_semaphore, #tpu.memory_space<semaphore_mem>>) src(%arg7 : memref<12544xf32, #tpu.memory_space<vmem>>) dst(%dma_wait3A_32 : memref<12544xf32, #tpu.memory_space<hbm>>)
          tpu.yield
        }) : () -> ()
      }
      %scan3A_15 = arith.constant 4 : i32
    }
    %scan3A_5 = arith.constant 48 : i32
    return
  }
}

</mosaic_0001>

<sc_bundles>
// kernel: kernel.3.cloned.1.call-start
scs
__scs_entry_jumppad:
0x0: {  	(pc) =	sbr.rel $0x88, $3  }
0x1: {  	(tag) =	ssettag $0x0;
	lr =	simm.s32 $0x1  }
0x2: {  	[smem:$0x3F9F] =	sst lr;
	_ =	strace $0xD0000000  }
0x3: {  	_ = 	snop  }
0x4: {  	_ = 	snop  }
0x5: {  	_ = 	snop  }
0x6: {  	_ = 	snop  }
0x7: {  	_ = 	snop  }
__scs_overlays_trampoline_lowered:
0x8: {  	[smem:$0x3FAE] =	sst s0  }
0x9: {  	[smem:$0x3FAF] =	sst s1  }
0xa: {  	[smem:$0x3FB0] =	sst s2  }
0xb: {  	[smem:$0x3FB1] =	sst s3  }
0xc: {  	[smem:$0x3FB2] =	sst s4  }
0xd: {  	[smem:$0x3FB3] =	sst s5  }
0xe: {  	[smem:$0x3FB4] =	sst s6  }
0xf: {  	[smem:$0x3FB5] =	sst s7  }
0x10: {  	[smem:$0x3FB6] =	sst s8  }
0x11: {  	[smem:$0x3FB7] =	sst s9;
	s0 =	simm.s32 @!p0 $0x0  }
0x12: {  	s1 =	sld [smem:$0x3F9D];
	s0 =	simm.s32 @p0 $0x1  }
0x13: {  	[smem:$0x3FB8] =	sst s0;
	s0 =	simm.s32 @!p1 $0x0  }
0x14: {  	s2 =	sld [smem:$0x3F9C];
	s0 =	simm.s32 @p1 $0x1  }
0x15: {  	[smem:$0x3FB9] =	sst s0;
	s0 =	simm.s32 @!p2 $0x0  }
0x16: {  	s3 =	sld [smem:$0x3FDB];
	s0 =	simm.s32 @p2 $0x1  }
0x17: {  	s4 =	simm.s32 $0x1BF5;
	[smem:$0x3FBB] =	sst s0  }
0x18: {  	s0 =	sld [smem:$0x3F9E];
	_ =	swait.ge [sflag:s4], $0x0  }
0x19: {  	s7 =	sld [smem:$0x3F9F]  }
0x1a: {  	s8 =	sadd.s32 $0xFFFFE003, lr  }
0x1b: {  	s9 =	sadd.s32 $0xFFFFFEF7, lr;
	s5 =	simm.s32 $0xFFFFFFFF;
	p2 =	slt.u32 s8, $0xFFFFF086  }
0x1c: {  	p1 =	slt.u32 s9, $0xF7A;
	s5 =	simm.s32 @!p2 $0x0  }
0x1d: {  	s5 =	simm.s32 @p1 $0x1;
	p0 =	seq.s32 s7, s2  }
0x1e: {  	s7 =	smul.u32 @!p0 $0xF7A, s2;
	p2 =	seq.s32 @!p0 s5, $0x0  }
0x1f: {  	s9 =	smul.u32 $0xF7A, s1;
	s8 =	simm.s32 @!p0 $0x1BF5;
	p2 =	por !p2, p0  }
0x20: {  	[sflag:s8] =	ssyncset.s32 @!p0 $0xFFFFF086;
	s6 =	sadd.s32 @!p0 s3, s7;
	s7 =	simm.s32 @!p0 $0x108  }
0x21: {  	s3 =	sadd.s32 s3, s9;
	s6 =	sadd.s32 @!p0 $0x88, s6;
	s7 =	simm.s32 @p2 $0x1082  }
0x22: {  	[simem:s7], [sflag:s8] =	dma.local @!p0 [hbm:s6], $0xF7A  }
0x23: {  	s9 =	sor.u32 $0xD0000000, s2;
	s6 =	simm.s32 $0x108;
	_ =	swait.ge @!p0 [sflag:s8], $0x0  }
0x24: {  	s3 =	sadd.s32 $0x88, s3;
	s6 =	simm.s32 @!p1 $0x1082;
	[sflag:s4] =	ssyncset.s32 $0xFFFFF086  }
0x25: {  	[simem:s6], [sflag:s4] =	dma.local [hbm:s3], $0xF7A  }
0x26: {  	[smem:$0x3F9F] =	sst s1;
	(tag) =	ssettag s2;
	_ =	strace s9  }
0x27: {  	s1 =	sld [smem:$0x3FAF]  }
0x28: {  	s2 =	sld [smem:$0x3FB0]  }
0x29: {  	s4 =	sld [smem:$0x3FB2]  }
0x2a: {  	p0 =	seq.s32 s5, $0x0;
	s5 =	sld [smem:$0x3FB3]  }
0x2b: {  	s6 =	sld [smem:$0x3FB4]  }
0x2c: {  	s7 =	sld [smem:$0x3FB5]  }
0x2d: {  	s3 =	simm.s32 $0x108;
	s8 =	sld [smem:$0x3FB6]  }
0x2e: {  	s3 =	simm.s32 @!p0 $0x1082;
	s9 =	sld [smem:$0x3FB7]  }
0x2f: {  	lr =	sadd.s32 s0, s3;
	s0 =	sld [smem:$0x3FAE]  }
0x30: {  	s3 =	sld [smem:$0x3FB1]  }
0x31: {  	[smem:$0x3FBA] =	sst s10  }
0x32: {  	s10 =	sld [smem:$0x3FB8];
	_ =	sdelay $0x3  }
0x33: {  	p0 =	seq.s32 s10, $0x1;
	s10 =	sld [smem:$0x3FBA];
	_ =	sdelay $0x3  }
0x34: {  	[smem:$0x3FBA] =	sst s10  }
0x35: {  	s10 =	sld [smem:$0x3FB9];
	_ =	sdelay $0x3  }
0x36: {  	p1 =	seq.s32 s10, $0x1;
	s10 =	sld [smem:$0x3FBA];
	_ =	sdelay $0x3  }
0x37: {  	[smem:$0x3FBA] =	sst s10  }
0x38: {  	s10 =	sld [smem:$0x3FBB]  }
0x39: {  	_ = 	snop;
	(pc) =	sbr.ind lr, $3  }
0x3a: {  	_ = 	snop  }
0x3b: {  	_ = 	snop  }
0x3c: {  	p2 =	seq.s32 s10, $0x1;
	s10 =	sld [smem:$0x3FBA]  }
0x3d: {  	_ =	shalt  }
0x3e: {  	_ =	shalt  }
0x3f: {  	_ =	shalt  }
0x40: {  	_ =	shalt  }
0x41: {  	_ =	shalt  }
0x42: {  	_ =	shalt  }
0x43: {  	_ =	shalt  }
0x44: {  	_ =	shalt  }
0x45: {  	_ =	shalt  }
0x46: {  	_ =	shalt  }
0x47: {  	_ =	shalt  }
0x48: {  	_ =	shalt  }
0x49: {  	_ =	shalt  }
0x4a: {  	_ =	shalt  }
0x4b: {  	_ =	shalt  }
0x4c: {  	_ =	shalt  }
0x4d: {  	_ =	shalt  }
0x4e: {  	_ =	shalt  }
0x4f: {  	_ =	shalt  }
0x50: {  	_ =	shalt  }
0x51: {  	_ =	shalt  }
0x52: {  	_ =	shalt  }
0x53: {  	_ =	shalt  }
0x54: {  	_ =	shalt  }
0x55: {  	_ =	shalt  }
0x56: {  	_ =	shalt  }
0x57: {  	_ =	shalt  }
0x58: {  	_ =	shalt  }
0x59: {  	_ =	shalt  }
0x5a: {  	_ =	shalt  }
0x5b: {  	_ =	shalt  }
0x5c: {  	_ =	shalt  }
0x5d: {  	_ =	shalt  }
0x5e: {  	_ =	shalt  }
0x5f: {  	_ =	shalt  }
0x60: {  	_ =	shalt  }
0x61: {  	_ =	shalt  }
0x62: {  	_ =	shalt  }
0x63: {  	_ =	shalt  }
0x64: {  	_ =	shalt  }
0x65: {  	_ =	shalt  }
0x66: {  	_ =	shalt  }
0x67: {  	_ =	shalt  }
0x68: {  	_ =	shalt  }
0x69: {  	_ =	shalt  }
0x6a: {  	_ =	shalt  }
0x6b: {  	_ =	shalt  }
0x6c: {  	_ =	shalt  }
0x6d: {  	_ =	shalt  }
0x6e: {  	_ =	shalt  }
0x6f: {  	_ =	shalt  }
0x70: {  	_ =	shalt  }
0x71: {  	_ =	shalt  }
0x72: {  	_ =	shalt  }
0x73: {  	_ =	shalt  }
0x74: {  	_ =	shalt  }
0x75: {  	_ =	shalt  }
0x76: {  	_ =	shalt  }
0x77: {  	_ =	shalt  }
0x78: {  	_ =	shalt  }
0x79: {  	_ =	shalt  }
0x7a: {  	_ =	shalt  }
0x7b: {  	_ =	shalt  }
0x7c: {  	_ =	shalt  }
0x7d: {  	_ =	shalt  }
0x7e: {  	_ =	shalt  }
0x7f: {  	_ =	shalt  }
0x80: {  	_ =	shalt  }
0x81: {  	_ =	shalt  }
0x82: {  	_ =	shalt  }
0x83: {  	_ =	shalt  }
0x84: {  	_ =	shalt  }
0x85: {  	_ =	shalt  }
0x86: {  	_ =	shalt  }
0x87: {  	_ =	shalt  }
.Lfunc_end0:
.L_simem_size_0:
called_computation_lowered:
.L_overlay_start_0:
0x88: {  	s2 =	sld [smem:$0x3FD9]  }
0x89: {  	s3 =	sld [smem:$0x3FFE];
	_ =	sdelay $0x1  }
0x8a: {  	s1 =	srdreg.scid  }
0x8b: {  	s0 =	sand.u32 $0x1, s1  }
0x8c: {  	s16 =	sshll.u32 s0, $0xA;
	s2 =	sadd.s32 s3, s2  }
0x8d: {  	s2 =	sadd.s32 s2, s16  }
0x8e: {  	[smem:$0x3FC6] =	sst s2  }
0x8f: {  	_ = 	snop  }
0x90: {  	(tm) =	ssettm $0x1  }
0x91: {  	s17 =	sld [smem:$0x3FFB];
	_ =	sdelay $0x3  }
0x92: {  	_ =	strace s17  }
0x93: {  	s2 =	sld [smem:$0x3FFC];
	_ =	sdelay $0x3  }
0x94: {  	_ =	strace s2  }
0x95: {  	s2 =	sld [smem:$0x3FFD];
	_ =	sdelay $0x3  }
0x96: {  	_ =	strace s2  }
0x97: {  	_ =	strace $0x8FFFFFFF  }
0x98: {  	s18 =	sld [smem:$0x3FDB];
	_ =	sdelay $0x1  }
0x99: {  	s19 =	simm.s32 $_scs_section_size  }
0x9a: {  	s4 =	simm.s32 $_size__tile_overlayer_lowered;
	s5 =	simm.s32 $_tile_overlayer_lowered  }
0x9b: {  	s22 =	simm.s32 $0x1BFF;
	s21 =	sshll.u32 s5, $0x1;
	s2 =	sadd.s32 s19, s18  }
0x9c: {  	s6 =	simm.s32 $0x0;
	s20 =	sshll.u32 s4, $0x1;
	s4 =	sadd.s32 s21, s2  }
0x9d: {  	[timem:s6], [sflag:s22] =	dma.local [hbm:s4], s20  }
0x9e: {  	_ =	swait.ge [sflag:s22], s20  }
0x9f: {  	s3 =	ssub.s32 $0x0, s20;
	[sflag:s22] =	ssyncset.done $0x0  }
0xa0: {  	[sflag:s22] =	ssyncadd.s32 s3;
	_ =	sdelay $0x1  }
0xa1: {  	s23 =	simm.s32 $0x1B8B  }
0xa2: {  	_ =	swait.ge [sflag:s23], $0x1  }
0xa3: {  	[sflag:s23] =	ssyncset.done $0x0  }
0xa4: {  	s25 =	simm.s32 $0x1B8E;
	s24 =	sld [smem:$0x3FFE];
	[sflag:s23] =	ssyncadd.s32 $0xFFFFFFFF  }
0xa5: {  	s26 =	simm.s32 $execute0_lowered;
	[smem:$0x3FD2] =	sst s25  }
0xa6: {  	s4 =	sshll.u32 s26, $0x1;
	_ =	strace $0x80000046;
	[dreg:$0x1] =	wrdreg $0xFFFFFFFF  }
0xa7: {  	s28 =	simm.s32 $_size_execute0_lowered;
	s2 =	sadd.s32 s2, s4;
	[dreg:$0x0] =	wrdreg $0x0  }
0xa8: {  	s4 =	sshll.u32 s28, $0x1;
	[dreg:$0x2] =	wrdreg s2  }
0xa9: {  	[dreg:$0x3] =	wrdreg s4  }
0xaa: {  	[dreg:$0x4] =	wrdreg $0xC0  }
0xab: {  	_ =	task [dreg:s6], $0x5FFFF  }
0xac: {  	[dreg:$0x1] =	wrdreg $0xFFFFFFFF  }
0xad: {  	[dreg:$0x0] =	wrdreg $0x60  }
0xae: {  	[dreg:$0x2] =	wrdreg s24  }
0xaf: {  	[dreg:$0x3] =	wrdreg $0x9  }
0xb0: {  	_ =	task.clear_ibuf [dreg:s6], $0x4FFFF;
	_ =	strace $0x90000046  }
0xb1: {  	s29 =	simm.s32 $0x9;
	_ =	strace $0x80000048  }
0xb2: {  	_ =	swait.ge [sflag:s29], $0x1  }
0xb3: {  	[sflag:s29] =	ssyncadd.s32 $0xFFFFFFFF  }
0xb4: {  	_ =	strace $0x90000048  }
0xb5: {  	_ =	sfence  }
0xb6: {  	s30 =	sld [smem:$0x0];
	_ =	sdelay $0x2  }
0xb7: {  	s31 =	sshll.u32 s1, $0xD;
	s1 =	sshrl.u32 s1, $0x2  }
0xb8: {  	s3 =	sand.u32 $0x4000, s31;
	s1 =	sadd.s32 s1, s30  }
0xb9: {  	s0 =	sor.u32 s3, s0;
	s1 =	sshll.u32 s1, $0x11  }
0xba: {  	s0 =	sor.u32 s1, s0  }
0xbb: {  	s0 =	sadd.s32 $0x8F2B, s0  }
0xbc: {  	[sflag:s0] =	ssyncadd.remote.s32 $0x1  }
0xbd: {  	_ =	sfence.sel $0xFFFF  }
0xbe: {  	[dreg:$0x0] =	wrdreg $0xFFFFFFFF;
	(pc) =	sbr.abs _section_cstart, $3  }
0xbf: {  	[dreg:$0x1] =	wrdreg $0xFFFFFFFF  }
0xc0: {  	_ =	task.clear_ibuf [dreg:s6], $0x2FFFF;
	_ =	strace $0x9FFFFFFF  }
0xc1: {  	(tm) =	ssettm $0x7FFFFFFF  }
tec
execute0_lowered:
.L_overlay_start_1:
0x0: {  	(tag) =	ssettag $0x1  }
0x1: {  	s5 =	rddreg [dreg:$0x0]  }
0x2: {  	s0 =	rddreg [dreg:$0x1];
	s1 =	simm.s32 $0x0  }
0x3: {  	s2 =	srdreg.scid;
	s10 =	simm.s32 $0x1;
	s11 =	simm.s32 $0x3100  }
0x4: {  	s12 =	simm.s32 $0x6200;
	s13 =	simm.s32 $0x0;
	[smem:$0x7FF] =	sst s1  }
0x5: {  	s6 =	sand.u32 $0x1, s2;
	s2 =	stileid.u32;
	s3 =	sadd.s32 $0x24C000, s5  }
0x6: {  	s4 =	sadd.s32 $0x498000, s5;
	s5 =	sadd.s32 $0xDC8000, s5;
	s7 =	ssub.s32 $0x2, s6  }
0x7: {  	_ =	strace $0x80000047;
	s9 =	sshll.u32 s2, $0x1;
	s8 =	sshrl.u32 s7, $0x1  }
0x8: {  	s6 =	sor.u32 s6, s9;
	s9 =	simm.s32 $0x400;
	s7 =	ssub.s32 s7, s8  }
0x9: {  	s6 =	smul.u32 $0x30, s6;
	s8 =	simm.s32 $0x80;
	s7 =	smax.u32 s7, $0x1  }
.LBB2_1:
0xa: {  	s14 =	simm.s32 $0x0  }
.LBB2_2:
0xb: {  	s15 =	sadd.s32 s6, s14  }
0xc: {  	s15 =	sshrl.u32 s15, $0x3  }
0xd: {  	s16 =	sshll.u32 s14, $0x7;
	s17 =	smul.u32 $0x18800, s15  }
0xe: {  	s16 =	sand.u32 $0x380, s16  }
0xf: {  	s17 =	sor.u32 s16, s17  }
0x10: {  	s17 =	sshrl.u32 s17, $0x3  }
0x11: {  	s18 =	simm.s32 $0x0;
	s15 =	smul.u32 $0x62000, s15;
	s17 =	sadd.s32 s3, s17  }
0x12: {  	[tilespmem:s18], [sflag:$0x1] =	stream.strided.gather [hbm4b:s17+s8], $0x3100, s9, s8, $0x38;
	[tilespmem:$0x9300] =	vst v63  }
0x13: {  	s15 =	sor.u32 s16, s15;
	_ =	swait.ge [sflag:s10], $0x3100  }
0x14: {  	s15 =	sshrl.u32 s15, $0x3;
	[sflag:s10] =	ssyncset.done $0x0  }
0x15: {  	s31 =	sadd.s32 s4, s15;
	[sflag:s10] =	ssyncadd.s32 $0xFFFFCF00  }
0x16: {  	[tilespmem:s11], [sflag:$0x1] =	stream.strided.gather [hbm4b:s31+s8], $0x3100, s9, s8, $0x38;
	[tilespmem:$0x9300] =	vst v63  }
0x17: {  	_ =	swait.ge [sflag:s10], $0x3100  }
0x18: {  	[sflag:s10] =	ssyncset.done $0x0  }
0x19: {  	s17 =	simm.s32 $0x0;
	[sflag:s10] =	ssyncadd.s32 $0xFFFFCF00  }
0x1a: {  	v1 =	vld [tilespmem:s17+$0x3100];
	_ =	sdelay $0x4  }
0x1b: {  	v0 =	vtrunc.f32 v1  }
0x1c: {  	v0 =	vcvt.f32.s32 v0  }
0x1d: {  	s16 =	simm.s32 $0x10  }
0x1e: {  	v2 =	vadd.s32 $0xFFFFFFFF, v0;
	v0 =	vld [tilespmem:s16+$0x3100]  }
0x1f: {  	vm0 =	vgt.s32 v2, $0x0  }
0x20: {  	v2 =	vnsel vm0, $0x0, v2;
	_ =	sdelay $0x2  }
0x21: {  	v3 =	vtrunc.f32 v0  }
0x22: {  	v3 =	vcvt.f32.s32 v3  }
0x23: {  	s19 =	simm.s32 $0xC0;
	s18 =	simm.s32 $0x20;
	v2 =	vld.idx.msk [tilespmem:v2+s1+$0x0], $0xffff  }
.LBB2_3:
0x24: {  	p0 =	sne.s32 s19, $0xC3C0;
	v4 =	vld [tilespmem:s18+$0x3100];
	v3 =	vadd.s32 $0xFFFFFFFF, v3  }
0x25: {  	vm0 =	vgt.s32 v3, $0x0  }
0x26: {  	v5 =	vnsel vm0, $0x0, v3  }
.Ltmp0:
0x27: {  	(pc) =	sbr.rel @p0 .LBB2_3-.Ltmp0, $4  }
0x28: {  	vm0 =	vgt.f32 v1, $5.000000000e-01;
	v1 =	vmov v0  }
0x29: {  	v2 =	vnsel vm0, $0x0, v2;
	v3 =	vtrunc.f32 v4;
	v0 =	vmov v4  }
0x2a: {  	v3 =	vcvt.f32.s32 v3;
	[tilespmem:s17+$0x6200] =	vst v2;
	s17 =	smov.u32 s16;
	s16 =	smov.u32 s18  }
0x2b: {  	s18 =	sshra.s32 s19, $0x2;
	s19 =	sadd.s32 $0x40, s19;
	v2 =	vld.idx.msk [tilespmem:v5+s1+$0x0], $0xffff  }
0x2c: {  	v4 =	vld [tilespmem:s18+$0x3100]  }
0x2d: {  	v3 =	vadd.s32 $0xFFFFFFFF, v3  }
0x2e: {  	vm0 =	vgt.s32 v3, $0x0  }
0x2f: {  	v3 =	vnsel vm0, $0x0, v3;
	_ =	sdelay $0x1  }
0x30: {  	vm11 =	vgt.f32 v1, $5.000000000e-01;
	v1 =	vtrunc.f32 v4  }
0x31: {  	v2 =	vnsel vm11, $0x0, v2;
	v1 =	vcvt.f32.s32 v1  }
0x32: {  	[tilespmem:s17+$0x6200] =	vst v2  }
0x33: {  	v2 =	vld.idx.msk [tilespmem:v3+s1+$0x0], $0xffff;
	v1 =	vadd.s32 $0xFFFFFFFF, v1  }
0x34: {  	vm12 =	vgt.s32 v1, $0x0  }
0x35: {  	v1 =	vnsel vm12, $0x0, v1;
	_ =	sdelay $0x1  }
0x36: {  	vm13 =	vgt.f32 v0, $5.000000000e-01  }
0x37: {  	v0 =	vnsel vm13, $0x0, v2  }
0x38: {  	[tilespmem:s16+$0x6200] =	vst v0  }
0x39: {  	v0 =	vld.idx.msk [tilespmem:v1+s1+$0x0], $0xffff;
	_ =	sdelay $0x3  }
0x3a: {  	vm14 =	vgt.f32 v4, $5.000000000e-01  }
0x3b: {  	v0 =	vnsel vm14, $0x0, v0  }
0x3c: {  	s30 =	sadd.s32 s5, s15;
	[tilespmem:s18+$0x6200] =	vst v0  }
0x3d: {  	[hbm4b:s30+s8] =	stream.strided.scatter [tilespmem:s12], [sflag:$0x1], $0x3100, s9, s8, $0x38;
	[tilespmem:$0x9300] =	vst v63  }
0x3e: {  	_ =	swait.ge [sflag:s10], $0x3100  }
0x3f: {  	s16 =	sadd.s32 $0x3100, s15;
	[sflag:s10] =	ssyncset.done $0x0  }
0x40: {  	s31 =	sadd.s32 s4, s16;
	[sflag:s10] =	ssyncadd.s32 $0xFFFFCF00  }
0x41: {  	[tilespmem:s11], [sflag:$0x1] =	stream.strided.gather [hbm4b:s31+s8], $0x3100, s9, s8, $0x38;
	[tilespmem:$0x9300] =	vst v63  }
0x42: {  	_ =	swait.ge [sflag:s10], $0x3100  }
0x43: {  	[sflag:s10] =	ssyncset.done $0x0  }
0x44: {  	s18 =	simm.s32 $0x0;
	[sflag:s10] =	ssyncadd.s32 $0xFFFFCF00  }
0x45: {  	v1 =	vld [tilespmem:s18+$0x3100];
	_ =	sdelay $0x4  }
0x46: {  	v0 =	vtrunc.f32 v1  }
0x47: {  	v0 =	vcvt.f32.s32 v0  }
0x48: {  	s17 =	simm.s32 $0x10  }
0x49: {  	v2 =	vadd.s32 $0xFFFFFFFF, v0;
	v0 =	vld [tilespmem:s17+$0x3100]  }
0x4a: {  	vm15 =	vgt.s32 v2, $0x0  }
0x4b: {  	v2 =	vnsel vm15, $0x0, v2;
	_ =	sdelay $0x2  }
0x4c: {  	v3 =	vtrunc.f32 v0  }
0x4d: {  	v3 =	vcvt.f32.s32 v3  }
0x4e: {  	s19 =	simm.s32 $0x20;
	s20 =	simm.s32 $0xC0;
	v2 =	vld.idx.msk [tilespmem:v2+s1+$0x0], $0xffff  }
.LBB2_5:
0x4f: {  	p0 =	sne.s32 s20, $0xC3C0;
	v4 =	vld [tilespmem:s19+$0x3100];
	v3 =	vadd.s32 $0xFFFFFFFF, v3  }
0x50: {  	vm0 =	vgt.s32 v3, $0x0  }
0x51: {  	v5 =	vnsel vm0, $0x0, v3  }
.Ltmp1:
0x52: {  	(pc) =	sbr.rel @p0 .LBB2_5-.Ltmp1, $4  }
0x53: {  	vm0 =	vgt.f32 v1, $5.000000000e-01;
	v1 =	vmov v0  }
0x54: {  	v2 =	vnsel vm0, $0x0, v2;
	v3 =	vtrunc.f32 v4;
	v0 =	vmov v4  }
0x55: {  	v3 =	vcvt.f32.s32 v3;
	[tilespmem:s18+$0x6200] =	vst v2;
	s18 =	smov.u32 s17;
	s17 =	smov.u32 s19  }
0x56: {  	s19 =	sshra.s32 s20, $0x2;
	s20 =	sadd.s32 $0x40, s20;
	v2 =	vld.idx.msk [tilespmem:v5+s1+$0x0], $0xffff  }
0x57: {  	v4 =	vld [tilespmem:s19+$0x3100]  }
0x58: {  	v3 =	vadd.s32 $0xFFFFFFFF, v3  }
0x59: {  	vm0 =	vgt.s32 v3, $0x0  }
0x5a: {  	v3 =	vnsel vm0, $0x0, v3;
	_ =	sdelay $0x1  }
0x5b: {  	vm11 =	vgt.f32 v1, $5.000000000e-01;
	v1 =	vtrunc.f32 v4  }
0x5c: {  	v2 =	vnsel vm11, $0x0, v2;
	v1 =	vcvt.f32.s32 v1  }
0x5d: {  	[tilespmem:s18+$0x6200] =	vst v2  }
0x5e: {  	v2 =	vld.idx.msk [tilespmem:v3+s1+$0x0], $0xffff;
	v1 =	vadd.s32 $0xFFFFFFFF, v1  }
0x5f: {  	vm12 =	vgt.s32 v1, $0x0  }
0x60: {  	v1 =	vnsel vm12, $0x0, v1;
	_ =	sdelay $0x1  }
0x61: {  	vm13 =	vgt.f32 v0, $5.000000000e-01  }
0x62: {  	v0 =	vnsel vm13, $0x0, v2  }
0x63: {  	[tilespmem:s17+$0x6200] =	vst v0  }
0x64: {  	v0 =	vld.idx.msk [tilespmem:v1+s1+$0x0], $0xffff;
	_ =	sdelay $0x3  }
0x65: {  	vm14 =	vgt.f32 v4, $5.000000000e-01  }
0x66: {  	v0 =	vnsel vm14, $0x0, v0  }
0x67: {  	s16 =	sadd.s32 s5, s16;
	[tilespmem:s19+$0x6200] =	vst v0  }
0x68: {  	[hbm4b:s16+s8] =	stream.strided.scatter [tilespmem:s12], [sflag:$0x1], $0x3100, s9, s8, $0x38;
	[tilespmem:$0x9300] =	vst v63  }
0x69: {  	_ =	swait.ge [sflag:s10], $0x3100  }
0x6a: {  	s16 =	sadd.s32 $0x6200, s15;
	[sflag:s10] =	ssyncset.done $0x0  }
0x6b: {  	s31 =	sadd.s32 s4, s16;
	[sflag:s10] =	ssyncadd.s32 $0xFFFFCF00  }
0x6c: {  	[tilespmem:s11], [sflag:$0x1] =	stream.strided.gather [hbm4b:s31+s8], $0x3100, s9, s8, $0x38;
	[tilespmem:$0x9300] =	vst v63  }
0x6d: {  	_ =	swait.ge [sflag:s10], $0x3100  }
0x6e: {  	[sflag:s10] =	ssyncset.done $0x0  }
0x6f: {  	s18 =	simm.s32 $0x0;
	[sflag:s10] =	ssyncadd.s32 $0xFFFFCF00  }
0x70: {  	v1 =	vld [tilespmem:s18+$0x3100];
	_ =	sdelay $0x4  }
0x71: {  	v0 =	vtrunc.f32 v1  }
0x72: {  	v0 =	vcvt.f32.s32 v0  }
0x73: {  	s17 =	simm.s32 $0x10  }
0x74: {  	v2 =	vadd.s32 $0xFFFFFFFF, v0;
	v0 =	vld [tilespmem:s17+$0x3100]  }
0x75: {  	vm15 =	vgt.s32 v2, $0x0  }
0x76: {  	v2 =	vnsel vm15, $0x0, v2;
	_ =	sdelay $0x2  }
0x77: {  	v3 =	vtrunc.f32 v0  }
0x78: {  	v3 =	vcvt.f32.s32 v3  }
0x79: {  	s20 =	simm.s32 $0xC0;
	s19 =	simm.s32 $0x20;
	v2 =	vld.idx.msk [tilespmem:v2+s1+$0x0], $0xffff  }
.LBB2_7:
0x7a: {  	p0 =	sne.s32 s20, $0xC3C0;
	v4 =	vld [tilespmem:s19+$0x3100];
	v3 =	vadd.s32 $0xFFFFFFFF, v3  }
0x7b: {  	vm0 =	vgt.s32 v3, $0x0  }
0x7c: {  	v5 =	vnsel vm0, $0x0, v3  }
.Ltmp2:
0x7d: {  	(pc) =	sbr.rel @p0 .LBB2_7-.Ltmp2, $4  }
0x7e: {  	vm0 =	vgt.f32 v1, $5.000000000e-01;
	v1 =	vmov v0  }
0x7f: {  	v2 =	vnsel vm0, $0x0, v2;
	v3 =	vtrunc.f32 v4;
	v0 =	vmov v4  }
0x80: {  	v3 =	vcvt.f32.s32 v3;
	[tilespmem:s18+$0x6200] =	vst v2;
	s18 =	smov.u32 s17;
	s17 =	smov.u32 s19  }
0x81: {  	s19 =	sshra.s32 s20, $0x2;
	s20 =	sadd.s32 $0x40, s20;
	v2 =	vld.idx.msk [tilespmem:v5+s1+$0x0], $0xffff  }
0x82: {  	v4 =	vld [tilespmem:s19+$0x3100]  }
0x83: {  	v3 =	vadd.s32 $0xFFFFFFFF, v3  }
0x84: {  	vm0 =	vgt.s32 v3, $0x0  }
0x85: {  	v3 =	vnsel vm0, $0x0, v3;
	_ =	sdelay $0x1  }
0x86: {  	vm11 =	vgt.f32 v1, $5.000000000e-01;
	v1 =	vtrunc.f32 v4  }
0x87: {  	v2 =	vnsel vm11, $0x0, v2;
	v1 =	vcvt.f32.s32 v1  }
0x88: {  	[tilespmem:s18+$0x6200] =	vst v2  }
0x89: {  	v2 =	vld.idx.msk [tilespmem:v3+s1+$0x0], $0xffff;
	v1 =	vadd.s32 $0xFFFFFFFF, v1  }
0x8a: {  	vm12 =	vgt.s32 v1, $0x0  }
0x8b: {  	v1 =	vnsel vm12, $0x0, v1;
	_ =	sdelay $0x1  }
0x8c: {  	vm13 =	vgt.f32 v0, $5.000000000e-01  }
0x8d: {  	v0 =	vnsel vm13, $0x0, v2  }
0x8e: {  	[tilespmem:s17+$0x6200] =	vst v0  }
0x8f: {  	v0 =	vld.idx.msk [tilespmem:v1+s1+$0x0], $0xffff;
	_ =	sdelay $0x3  }
0x90: {  	vm14 =	vgt.f32 v4, $5.000000000e-01  }
0x91: {  	v0 =	vnsel vm14, $0x0, v0  }
0x92: {  	s16 =	sadd.s32 s5, s16;
	[tilespmem:s19+$0x6200] =	vst v0  }
0x93: {  	[hbm4b:s16+s8] =	stream.strided.scatter [tilespmem:s12], [sflag:$0x1], $0x3100, s9, s8, $0x38;
	[tilespmem:$0x9300] =	vst v63  }
0x94: {  	_ =	swait.ge [sflag:s10], $0x3100  }
0x95: {  	s15 =	sadd.s32 $0x9300, s15;
	[sflag:s10] =	ssyncset.done $0x0  }
0x96: {  	s31 =	sadd.s32 s4, s15;
	[sflag:s10] =	ssyncadd.s32 $0xFFFFCF00  }
0x97: {  	[tilespmem:s11], [sflag:$0x1] =	stream.strided.gather [hbm4b:s31+s8], $0x3100, s9, s8, $0x38;
	[tilespmem:$0x9300] =	vst v63  }
0x98: {  	_ =	swait.ge [sflag:s10], $0x3100  }
0x99: {  	[sflag:s10] =	ssyncset.done $0x0  }
0x9a: {  	s17 =	simm.s32 $0x0;
	[sflag:s10] =	ssyncadd.s32 $0xFFFFCF00  }
0x9b: {  	v1 =	vld [tilespmem:s17+$0x3100];
	_ =	sdelay $0x4  }
0x9c: {  	v0 =	vtrunc.f32 v1  }
0x9d: {  	v0 =	vcvt.f32.s32 v0  }
0x9e: {  	s16 =	simm.s32 $0x10  }
0x9f: {  	v2 =	vadd.s32 $0xFFFFFFFF, v0;
	v0 =	vld [tilespmem:s16+$0x3100]  }
0xa0: {  	vm15 =	vgt.s32 v2, $0x0  }
0xa1: {  	v2 =	vnsel vm15, $0x0, v2;
	_ =	sdelay $0x2  }
0xa2: {  	v3 =	vtrunc.f32 v0  }
0xa3: {  	v3 =	vcvt.f32.s32 v3  }
0xa4: {  	s18 =	simm.s32 $0x20;
	s19 =	simm.s32 $0xC0;
	v2 =	vld.idx.msk [tilespmem:v2+s1+$0x0], $0xffff  }
.LBB2_9:
0xa5: {  	p0 =	sne.s32 s19, $0xC3C0;
	v4 =	vld [tilespmem:s18+$0x3100];
	v3 =	vadd.s32 $0xFFFFFFFF, v3  }
0xa6: {  	vm0 =	vgt.s32 v3, $0x0  }
0xa7: {  	v5 =	vnsel vm0, $0x0, v3  }
.Ltmp3:
0xa8: {  	(pc) =	sbr.rel @p0 .LBB2_9-.Ltmp3, $4  }
0xa9: {  	vm0 =	vgt.f32 v1, $5.000000000e-01;
	v1 =	vmov v0  }
0xaa: {  	v2 =	vnsel vm0, $0x0, v2;
	v3 =	vtrunc.f32 v4;
	v0 =	vmov v4  }
0xab: {  	v3 =	vcvt.f32.s32 v3;
	[tilespmem:s17+$0x6200] =	vst v2;
	s17 =	smov.u32 s16;
	s16 =	smov.u32 s18  }
0xac: {  	s18 =	sshra.s32 s19, $0x2;
	s19 =	sadd.s32 $0x40, s19;
	v2 =	vld.idx.msk [tilespmem:v5+s1+$0x0], $0xffff  }
0xad: {  	v4 =	vld [tilespmem:s18+$0x3100]  }
0xae: {  	v3 =	vadd.s32 $0xFFFFFFFF, v3  }
0xaf: {  	vm0 =	vgt.s32 v3, $0x0  }
0xb0: {  	v3 =	vnsel vm0, $0x0, v3;
	_ =	sdelay $0x1  }
0xb1: {  	vm12 =	vgt.f32 v1, $5.000000000e-01;
	v63 =	vtrunc.f32 v4  }
0xb2: {  	v2 =	vnsel vm12, $0x0, v2;
	v1 =	vcvt.f32.s32 v63  }
0xb3: {  	[tilespmem:s17+$0x6200] =	vst v2  }
0xb4: {  	v2 =	vld.idx.msk [tilespmem:v3+s1+$0x0], $0xffff;
	v1 =	vadd.s32 $0xFFFFFFFF, v1  }
0xb5: {  	vm13 =	vgt.s32 v1, $0x0  }
0xb6: {  	v1 =	vnsel vm13, $0x0, v1;
	_ =	sdelay $0x1  }
0xb7: {  	vm14 =	vgt.f32 v0, $5.000000000e-01  }
0xb8: {  	v0 =	vnsel vm14, $0x0, v2  }
0xb9: {  	[tilespmem:s16+$0x6200] =	vst v0  }
0xba: {  	v0 =	vld.idx.msk [tilespmem:v1+s1+$0x0], $0xffff;
	_ =	sdelay $0x3  }
0xbb: {  	s14 =	sadd.s32 $0x1, s14;
	vm15 =	vgt.f32 v4, $5.000000000e-01  }
0xbc: {  	p0 =	sne.s32 s14, $0x30;
	v0 =	vnsel vm15, $0x0, v0  }
.Ltmp4:
0xbd: {  	s15 =	sadd.s32 s5, s15;
	[tilespmem:s18+$0x6200] =	vst v0;
	(pc) =	sbr.rel @p0 .LBB2_2-.Ltmp4, $4  }
0xbe: {  	[hbm4b:s15+s8] =	stream.strided.scatter [tilespmem:s12], [sflag:$0x1], $0x3100, s9, s8, $0x38;
	[tilespmem:$0x9300] =	vst v63  }
0xbf: {  	_ =	swait.ge [sflag:s10], $0x3100  }
0xc0: {  	[sflag:s10] =	ssyncset.done $0x0  }
0xc1: {  	[sflag:s10] =	ssyncadd.s32 $0xFFFFCF00  }
0xc2: {  	s13 =	sadd.s32 $0x1, s13  }
0xc3: {  	p0 =	sne.s32 s13, s7  }
.Ltmp5:
0xc4: {  	_ = 	snop;
	(pc) =	sbr.rel @p0 .LBB2_1-.Ltmp5, $1  }
0xc5: {  	_ =	sdelay $0x3  }
0xc6: {  	_ =	sfence.sel $0x180000  }
0xc7: {  	[bflag:$0x0] =	sbarrier.arrive $0xFFFF  }
0xc8: {  	p0 =	sne.s32 s2, $0x0;
	_ =	strace $0x90000047  }
0xc9: {  	s0 =	sadd.s32 @!p0 $0x100000, s0;
	[bflag:$0x2] =	sbarrier.arrive $0xFFFF  }
0xca: {  	[sflag:s0] =	ssyncadd.tile.s32 @!p0 $0x1;
	_ =	shalt  }
.Lfunc_end2:
_tile_overlayer_lowered:
.L_overlay_start_2:
0xcb: {  	(tag) =	ssettag $0x2  }
0xcc: {  	s0 =	rddreg [dreg:$0x0];
	s2 =	stileid.u32  }
0xcd: {  	s1 =	rddreg [dreg:$0x1];
	p0 =	sne.s32 s2, $0x0  }
0xce: {  	s3 =	rddreg [dreg:$0x2];
	[bflag:$0x3] =	sbarrier.arrive $0xFFFF;
	s2 =	simm.s32 @!p0 $0x1C01  }
0xcf: {  	[timem:s3], [sflag:s2] =	dma.local @!p0 [hbm:s0], s1  }
0xd0: {  	s0 =	simm.s32 @!p0 $0x1  }
0xd1: {  	_ =	swait.ge @!p0 [sflag:s0], s1  }
0xd2: {  	s1 =	ssub.s32 @!p0 $0x0, s1;
	[sflag:s0] =	ssyncset.done @!p0 $0x0  }
0xd3: {  	[sflag:s0] =	ssyncadd.s32 @!p0 s1  }
0xd4: {  	[bflag:$0x3] =	sbarrier.arrive $0xFFFF  }
0xd5: {  	_ =	shalt  }

</sc_bundles>
